<compile_context>
chip_gen: v7x
topology: tpu7x:2x2x1
jax: 0.10.2.dev20260603
libtpu: 0.0.44.dev20260713+nightly
codegen_flags: <defaults>
</compile_context>

<pallas_src>
import functools

import jax
import jax.numpy as jnp
from jax import lax
from jax.experimental import pallas as pl
from jax.experimental.pallas import tpu as pltpu
from jax.experimental.pallas import tpu_sc as plsc

N = 10000
D = 128
E = 320000

NUM_CORES = 2
NUM_SUBCORES = 16
NUM_WORKERS = NUM_CORES * NUM_SUBCORES

NPAD = 10240
ROWS_PER_TILE = NPAD // NUM_SUBCORES
CHUNK = 128
IDX_ROWS = 80
EPAD = NUM_WORKERS * IDX_ROWS * CHUNK
BLK = 2000
GRID = N // BLK




def _agg_body(x_hbm, src_hbm, dst_hbm, out_hbm, src_v, dst_v, buf, agg_sh,
              sem):
    c = lax.axis_index("c")
    s = lax.axis_index("s")
    wid = c * NUM_SUBCORES + s

    zeros16 = jnp.zeros((16,), jnp.float32)

    def zrow(i, carry):
        for j in range(8):
            buf[i, pl.ds(j * 16, 16)] = zeros16
        return carry

    lax.fori_loop(0, CHUNK, zrow, 0)
    for k in range(ROWS_PER_TILE // CHUNK):
        pltpu.sync_copy(buf,
                        agg_sh.at[pl.ds(s * ROWS_PER_TILE + k * CHUNK, CHUNK)])
    plsc.subcore_barrier()

    pltpu.sync_copy(src_hbm.at[pl.ds(wid * IDX_ROWS, IDX_ROWS)], src_v)
    pltpu.sync_copy(dst_hbm.at[pl.ds(wid * IDX_ROWS, IDX_ROWS)], dst_v)

    def ebody(j, carry):
        pltpu.async_copy(x_hbm.at[src_v.at[j]], buf, sem).wait()
        pltpu.sync_copy(buf, agg_sh.at[dst_v.at[j]], add=True)
        return carry

    lax.fori_loop(0, IDX_ROWS, ebody, 0)

    plsc.subcore_barrier()
    pltpu.sync_copy(agg_sh.at[pl.ds(s * ROWS_PER_TILE, ROWS_PER_TILE)],
                    out_hbm.at[c, pl.ds(s * ROWS_PER_TILE, ROWS_PER_TILE)])


@jax.jit
def _sc_agg(xf, src2d, dst2d):
    mesh = plsc.VectorSubcoreMesh(core_axis_name="c", subcore_axis_name="s")
    kern = pl.kernel(
        _agg_body,
        out_type=jax.ShapeDtypeStruct((NUM_CORES, NPAD, D), jnp.float32),
        mesh=mesh,
        scratch_types=[
            pltpu.VMEM((IDX_ROWS, CHUNK), jnp.int32),
            pltpu.VMEM((IDX_ROWS, CHUNK), jnp.int32),
            pltpu.VMEM((CHUNK, D), jnp.float32),
            pltpu.VMEM_SHARED((NPAD, D), jnp.float32),
            pltpu.SemaphoreType.DMA,
        ],
    )
    return kern(xf, src2d, dst2d)


def _mlp1_body(x_ref, slab_ref, w_ref, b_ref, t_ref, stats_ref):
    y = x_ref[...] + slab_ref[0] + slab_ref[1]
    t = jnp.dot(y, w_ref[...], preferred_element_type=jnp.float32) + b_ref[...]
    t_ref[...] = t

    @pl.when(pl.program_id(0) == 0)
    def _():
        stats_ref[...] = jnp.zeros_like(stats_ref)

    stats_ref[0:1, :] += jnp.sum(t, axis=0, keepdims=True)
    stats_ref[1:2, :] += jnp.sum(t * t, axis=0, keepdims=True)


def _mlp1(x, slab, w1, b1):
    return pl.pallas_call(
        _mlp1_body,
        grid=(GRID,),
        in_specs=[
            pl.BlockSpec((BLK, D), lambda i: (i, 0)),
            pl.BlockSpec((NUM_CORES, BLK, D), lambda i: (0, i, 0)),
            pl.BlockSpec((D, D), lambda i: (0, 0)),
            pl.BlockSpec((1, D), lambda i: (0, 0)),
        ],
        out_specs=[
            pl.BlockSpec((BLK, D), lambda i: (i, 0)),
            pl.BlockSpec((2, D), lambda i: (0, 0)),
        ],
        out_shape=[
            jax.ShapeDtypeStruct((N, D), jnp.float32),
            jax.ShapeDtypeStruct((2, D), jnp.float32),
        ],
    )(x, slab, w1, b1.reshape(1, D))


def _bn_head(t, stats, s_ref, be_ref):
    mu = stats[0:1, :] * (1.0 / N)
    var = stats[1:2, :] * (1.0 / N) - mu * mu
    z = (t - mu) * lax.rsqrt(var + 1e-5) * s_ref[...] + be_ref[...]
    return jnp.maximum(z, 0.0)


def _mlp2_body(t_ref, stats_ref, s_ref, be_ref, w_ref, b_ref, h_ref):
    z = _bn_head(t_ref[...], stats_ref[...], s_ref, be_ref)
    h = jnp.dot(z, w_ref[...], preferred_element_type=jnp.float32) + b_ref[...]
    h_ref[...] = jnp.maximum(h, 0.0)


def _mlp2(t, stats, s, be, w2, b2):
    return pl.pallas_call(
        _mlp2_body,
        grid=(GRID,),
        in_specs=[
            pl.BlockSpec((BLK, D), lambda i: (i, 0)),
            pl.BlockSpec((2, D), lambda i: (0, 0)),
            pl.BlockSpec((1, D), lambda i: (0, 0)),
            pl.BlockSpec((1, D), lambda i: (0, 0)),
            pl.BlockSpec((D, D), lambda i: (0, 0)),
            pl.BlockSpec((1, D), lambda i: (0, 0)),
        ],
        out_specs=pl.BlockSpec((BLK, D), lambda i: (i, 0)),
        out_shape=jax.ShapeDtypeStruct((N, D), jnp.float32),
    )(t, stats, s.reshape(1, D), be.reshape(1, D), w2, b2.reshape(1, D))


def _mlp2f_body(t_ref, stats_ref, s_ref, be_ref, w_ref, b_ref,
                mw1_ref, mb1_ref, mw2_ref, mb2_ref, o_ref):
    z = _bn_head(t_ref[...], stats_ref[...], s_ref, be_ref)
    h = jnp.dot(z, w_ref[...], preferred_element_type=jnp.float32) + b_ref[...]
    h = jnp.maximum(h, 0.0)
    g = jnp.dot(h, mw1_ref[...], preferred_element_type=jnp.float32) + mb1_ref[...]
    g = jnp.maximum(g, 0.0)
    o_ref[...] = jnp.dot(g, mw2_ref[...], preferred_element_type=jnp.float32) + mb2_ref[...]


def _mlp2f(t, stats, s, be, w2, b2, mw1, mb1, mw2, mb2):
    Co = mw2.shape[1]
    return pl.pallas_call(
        _mlp2f_body,
        grid=(GRID,),
        in_specs=[
            pl.BlockSpec((BLK, D), lambda i: (i, 0)),
            pl.BlockSpec((2, D), lambda i: (0, 0)),
            pl.BlockSpec((1, D), lambda i: (0, 0)),
            pl.BlockSpec((1, D), lambda i: (0, 0)),
            pl.BlockSpec((D, D), lambda i: (0, 0)),
            pl.BlockSpec((1, D), lambda i: (0, 0)),
            pl.BlockSpec((D, D), lambda i: (0, 0)),
            pl.BlockSpec((1, D), lambda i: (0, 0)),
            pl.BlockSpec((D, Co), lambda i: (0, 0)),
            pl.BlockSpec((1, Co), lambda i: (0, 0)),
        ],
        out_specs=pl.BlockSpec((BLK, Co), lambda i: (i, 0)),
        out_shape=jax.ShapeDtypeStruct((N, Co), jnp.float32),
    )(t, stats, s.reshape(1, D), be.reshape(1, D), w2, b2.reshape(1, D),
      mw1, mb1.reshape(1, D), mw2, mb2.reshape(1, Co))


def kernel(x, edge_index, c1_W1, c1_b1, c1_s, c1_be, c1_W2, c1_b2,
           c2_W1, c2_b1, c2_s, c2_be, c2_W2, c2_b2,
           m_W1, m_b1, m_W2, m_b2):
    ei = edge_index.astype(jnp.int32)
    pad = EPAD - E
    src2d = jnp.concatenate(
        [ei[0], jnp.zeros((pad,), jnp.int32)]).reshape(-1, CHUNK)
    dst2d = jnp.concatenate(
        [ei[1], jnp.full((pad,), N, jnp.int32)]).reshape(-1, CHUNK)

    slab1 = _sc_agg(x, src2d, dst2d)
    t1, stats1 = _mlp1(x, slab1, c1_W1, c1_b1)
    h1 = _mlp2(t1, stats1, c1_s, c1_be, c1_W2, c1_b2)

    slab2 = _sc_agg(h1, src2d, dst2d)
    t2, stats2 = _mlp1(h1, slab2, c2_W1, c2_b1)
    return _mlp2f(t2, stats2, c2_s, c2_be, c2_W2, c2_b2,
                  m_W1, m_b1, m_W2, m_b2)

# --- scband reference (transcript-rebuilt; emitter-appended) ---
"""Pipeline reference for scband-ginnet-32908039422341 (READ-ONLY COPY).

The authoritative reference and input builder live on the scoring server;
editing this copy changes nothing except your own understanding.
"""

import jax, jax.numpy as jnp
import numpy as np

N = 10000
E = 320000
D = 128
H = 128
C = 64

def _bn(x, scale, bias):
    mu = jnp.mean(x, axis=0, keepdims=True)
    var = jnp.var(x, axis=0, keepdims=True)
    return (x - mu) * jax.lax.rsqrt(var + 1e-5) * scale + bias

def _gin_mlp(x, W1, b1, s, be, W2, b2):
    # PyG MLP([in, hidden, hidden]): Linear -> BatchNorm -> ReLU -> Linear (plain last)
    h = x @ W1 + b1
    h = jax.nn.relu(_bn(h, s, be))
    return h @ W2 + b2

def setup_inputs(seed: int = 0):
    key = jax.random.key(seed)
    ks = jax.random.split(key, 16)
    def w(k, fi, fo):
        return (jax.random.normal(k, (fi, fo), dtype=jnp.float32) / np.sqrt(fi)).astype(jnp.float32)
    return {
        "x": jax.random.normal(ks[0], (N, D), dtype=jnp.float32),
        "edge_index": jax.random.randint(ks[1], (2, E), 0, N).astype(jnp.int64),
        "c1_W1": w(ks[2], D, H), "c1_b1": jnp.zeros((H,), jnp.float32),
        "c1_s": jnp.ones((H,), jnp.float32), "c1_be": jnp.zeros((H,), jnp.float32),
        "c1_W2": w(ks[3], H, H), "c1_b2": jnp.zeros((H,), jnp.float32),
        "c2_W1": w(ks[4], H, H), "c2_b1": jnp.zeros((H,), jnp.float32),
        "c2_s": jnp.ones((H,), jnp.float32), "c2_be": jnp.zeros((H,), jnp.float32),
        "c2_W2": w(ks[5], H, H), "c2_b2": jnp.zeros((H,), jnp.float32),
        "m_W1": w(ks[6], H, H), "m_b1": jnp.zeros((H,), jnp.float32),
        "m_W2": w(ks[7], H, C), "m_b2": jnp.zeros((C,), jnp.float32),
    }

def reference(x, edge_index, c1_W1, c1_b1, c1_s, c1_be, c1_W2, c1_b2,
              c2_W1, c2_b1, c2_s, c2_be, c2_W2, c2_b2,
              m_W1, m_b1, m_W2, m_b2):
    src, dst = edge_index[0], edge_index[1]
    # GINConv layer 1: out = mlp((1+eps)*x + sum_{j in N(i)} x_j), eps=0
    agg = jnp.zeros_like(x).at[dst].add(x[src])
    h = jax.nn.relu(_gin_mlp(x + agg, c1_W1, c1_b1, c1_s, c1_be, c1_W2, c1_b2))
    # GINConv layer 2
    agg2 = jnp.zeros_like(h).at[dst].add(h[src])
    h = jax.nn.relu(_gin_mlp(h + agg2, c2_W1, c2_b1, c2_s, c2_be, c2_W2, c2_b2))
    # final MLP([hidden, hidden, out], norm=None, dropout=0.5) -> eval mode: Linear -> ReLU -> Linear
    out = jax.nn.relu(h @ m_W1 + m_b1) @ m_W2 + m_b2
    return out

if __name__ == "__main__":
    import jax
    _d = setup_inputs()
    print(jax.jit(kernel)(*tuple(_d.values())))

</pallas_src>

<mosaic_0001>
#map = affine_map<(d0, d1) -> (0, 0)>
#map1 = affine_map<(d0, d1) -> (0, 0, 0)>
module attributes {stable_mosaic.version = 14 : i64} {
  func.func @_agg_body(%arg0: i32, %arg1: i32, %arg2: memref<10000x128xf32, #tpu.memory_space<hbm>>, %arg3: memref<2560x128xi32, #tpu.memory_space<hbm>>, %arg4: memref<2560x128xi32, #tpu.memory_space<hbm>>, %arg5: memref<2x10240x128xf32, #tpu.memory_space<hbm>>, %arg6: memref<80x128xi32, #tpu.memory_space<vmem>>, %arg7: memref<80x128xi32, #tpu.memory_space<vmem>>, %arg8: memref<128x128xf32, #tpu.memory_space<vmem>>, %arg9: memref<10240x128xf32, #tpu.memory_space<vmem_shared>>, %arg10: memref<!tpu.dma_semaphore, #tpu.memory_space<semaphore_mem>>) attributes {dimension_semantics = [#tpu.dimension_semantics<core_parallel>, #tpu.dimension_semantics<subcore_parallel>], iteration_bounds = array<i64: 2, 16>, scalar_prefetch = 0 : i64, scratch_operands = 5 : i64, tpu.core_type = #tpu.core_type<sc_vector_subcore>, window_params = [{transform_indices = #map}, {transform_indices = #map}, {transform_indices = #map}, {transform_indices = #map1}]} {
    %mul3A = arith.constant 16 : i32
    %mul3A_0 = arith.muli %arg0, %mul3A : i32
    %add3A = arith.addi %mul3A_0, %arg1 : i32
    %broadcast_in_dim3A = arith.constant 0.000000e+00 : f32
    %broadcast_in_dim3A_1 = vector.broadcast %broadcast_in_dim3A : f32 to vector<16xf32>
    %scan3A = arith.constant 0 : i32
    %scan3A_2 = arith.constant 0 : i32
    %scan3A_3 = arith.constant 128 : i32
    %scan3A_4 = arith.addi %scan3A_2, %scan3A_3 : i32
    %scan3A_5 = arith.constant 1 : i32
    scf.for %scan3A_42 = %scan3A_2 to %scan3A_4 step %scan3A_5  : i32 {
      %swap3A = arith.index_cast %scan3A_42 : i32 to index
      %swap3A_43 = arith.constant 0 : index
      %swap3A_44 = tpu.vector_load %arg8[%swap3A, %swap3A_43] {strides = array<i32>} : memref<128x128xf32, #tpu.memory_space<vmem>>, vector<1x16xf32>,
      %swap3A_45 = vector.shape_cast %swap3A_44 : vector<1x16xf32> to vector<16xf32>
      %swap3A_46 = vector.shape_cast %broadcast_in_dim3A_1 : vector<16xf32> to vector<1x16xf32>
      tpu.vector_store %arg8[%swap3A, %swap3A_43], %swap3A_46 {strides = array<i32>} : memref<128x128xf32, #tpu.memory_space<vmem>>, vector<1x16xf32>,
      %swap3A_47 = arith.index_cast %scan3A_42 : i32 to index
      %swap3A_48 = arith.constant 16 : index
      %swap3A_49 = tpu.vector_load %arg8[%swap3A_47, %swap3A_48] {strides = array<i32>} : memref<128x128xf32, #tpu.memory_space<vmem>>, vector<1x16xf32>,
      %swap3A_50 = vector.shape_cast %swap3A_49 : vector<1x16xf32> to vector<16xf32>
      %swap3A_51 = vector.shape_cast %broadcast_in_dim3A_1 : vector<16xf32> to vector<1x16xf32>
      tpu.vector_store %arg8[%swap3A_47, %swap3A_48], %swap3A_51 {strides = array<i32>} : memref<128x128xf32, #tpu.memory_space<vmem>>, vector<1x16xf32>,
      %swap3A_52 = arith.index_cast %scan3A_42 : i32 to index
      %swap3A_53 = arith.constant 32 : index
      %swap3A_54 = tpu.vector_load %arg8[%swap3A_52, %swap3A_53] {strides = array<i32>} : memref<128x128xf32, #tpu.memory_space<vmem>>, vector<1x16xf32>,
      %swap3A_55 = vector.shape_cast %swap3A_54 : vector<1x16xf32> to vector<16xf32>
      %swap3A_56 = vector.shape_cast %broadcast_in_dim3A_1 : vector<16xf32> to vector<1x16xf32>
      tpu.vector_store %arg8[%swap3A_52, %swap3A_53], %swap3A_56 {strides = array<i32>} : memref<128x128xf32, #tpu.memory_space<vmem>>, vector<1x16xf32>,
      %swap3A_57 = arith.index_cast %scan3A_42 : i32 to index
      %swap3A_58 = arith.constant 48 : index
      %swap3A_59 = tpu.vector_load %arg8[%swap3A_57, %swap3A_58] {strides = array<i32>} : memref<128x128xf32, #tpu.memory_space<vmem>>, vector<1x16xf32>,
      %swap3A_60 = vector.shape_cast %swap3A_59 : vector<1x16xf32> to vector<16xf32>
      %swap3A_61 = vector.shape_cast %broadcast_in_dim3A_1 : vector<16xf32> to vector<1x16xf32>
      tpu.vector_store %arg8[%swap3A_57, %swap3A_58], %swap3A_61 {strides = array<i32>} : memref<128x128xf32, #tpu.memory_space<vmem>>, vector<1x16xf32>,
      %swap3A_62 = arith.index_cast %scan3A_42 : i32 to index
      %swap3A_63 = arith.constant 64 : index
      %swap3A_64 = tpu.vector_load %arg8[%swap3A_62, %swap3A_63] {strides = array<i32>} : memref<128x128xf32, #tpu.memory_space<vmem>>, vector<1x16xf32>,
      %swap3A_65 = vector.shape_cast %swap3A_64 : vector<1x16xf32> to vector<16xf32>
      %swap3A_66 = vector.shape_cast %broadcast_in_dim3A_1 : vector<16xf32> to vector<1x16xf32>
      tpu.vector_store %arg8[%swap3A_62, %swap3A_63], %swap3A_66 {strides = array<i32>} : memref<128x128xf32, #tpu.memory_space<vmem>>, vector<1x16xf32>,
      %swap3A_67 = arith.index_cast %scan3A_42 : i32 to index
      %swap3A_68 = arith.constant 80 : index
      %swap3A_69 = tpu.vector_load %arg8[%swap3A_67, %swap3A_68] {strides = array<i32>} : memref<128x128xf32, #tpu.memory_space<vmem>>, vector<1x16xf32>,
      %swap3A_70 = vector.shape_cast %swap3A_69 : vector<1x16xf32> to vector<16xf32>
      %swap3A_71 = vector.shape_cast %broadcast_in_dim3A_1 : vector<16xf32> to vector<1x16xf32>
      tpu.vector_store %arg8[%swap3A_67, %swap3A_68], %swap3A_71 {strides = array<i32>} : memref<128x128xf32, #tpu.memory_space<vmem>>, vector<1x16xf32>,
      %swap3A_72 = arith.index_cast %scan3A_42 : i32 to index
      %swap3A_73 = arith.constant 96 : index
      %swap3A_74 = tpu.vector_load %arg8[%swap3A_72, %swap3A_73] {strides = array<i32>} : memref<128x128xf32, #tpu.memory_space<vmem>>, vector<1x16xf32>,
      %swap3A_75 = vector.shape_cast %swap3A_74 : vector<1x16xf32> to vector<16xf32>
      %swap3A_76 = vector.shape_cast %broadcast_in_dim3A_1 : vector<16xf32> to vector<1x16xf32>
      tpu.vector_store %arg8[%swap3A_72, %swap3A_73], %swap3A_76 {strides = array<i32>} : memref<128x128xf32, #tpu.memory_space<vmem>>, vector<1x16xf32>,
      %swap3A_77 = arith.index_cast %scan3A_42 : i32 to index
      %swap3A_78 = arith.constant 112 : index
      %swap3A_79 = tpu.vector_load %arg8[%swap3A_77, %swap3A_78] {strides = array<i32>} : memref<128x128xf32, #tpu.memory_space<vmem>>, vector<1x16xf32>,
      %swap3A_80 = vector.shape_cast %swap3A_79 : vector<1x16xf32> to vector<16xf32>
      %swap3A_81 = vector.shape_cast %broadcast_in_dim3A_1 : vector<16xf32> to vector<1x16xf32>
      tpu.vector_store %arg8[%swap3A_77, %swap3A_78], %swap3A_81 {strides = array<i32>} : memref<128x128xf32, #tpu.memory_space<vmem>>, vector<1x16xf32>,
    }
    %scan3A_6 = arith.constant 128 : i32
    %mul3A_7 = arith.constant 640 : i32
    %mul3A_8 = arith.muli %arg1, %mul3A_7 : i32
    %add3A_9 = arith.constant 0 : i32
    %add3A_10 = arith.addi %mul3A_8, %add3A_9 : i32
    "tpu.region"() ({
      %run_scoped3A = tpu.sem_alloc : memref<!tpu.dma_semaphore, #tpu.memory_space<semaphore_mem>>
      %dma_start3A = arith.constant 0 : i32
      %dma_start3A_42 = tpu.memref_slice %arg9[%add3A_10, %dma_start3A] : memref<10240x128xf32, #tpu.memory_space<vmem_shared>> -> memref<128x128xf32, #tpu.memory_space<vmem_shared>>
      %dma_start3A_43 = arith.constant 0 : i32
      %dma_start3A_44 = tpu.memref_slice %arg9[%add3A_10, %dma_start3A_43] : memref<10240x128xf32, #tpu.memory_space<vmem_shared>> -> memref<128x128xf32, #tpu.memory_space<vmem_shared>>
      tpu.enqueue_dma source(%arg8 : memref<128x128xf32, #tpu.memory_space<vmem>>) target(%dma_start3A_44 : memref<128x128xf32, #tpu.memory_space<vmem_shared>>) target_semaphore(%run_scoped3A : memref<!tpu.dma_semaphore, #tpu.memory_space<semaphore_mem>>)
      %dma_wait3A = arith.constant 0 : i32
      %dma_wait3A_45 = tpu.memref_slice %arg9[%add3A_10, %dma_wait3A] : memref<10240x128xf32, #tpu.memory_space<vmem_shared>> -> memref<128x128xf32, #tpu.memory_space<vmem_shared>>
      %dma_wait3A_46 = arith.constant 0 : i32
      %dma_wait3A_47 = tpu.memref_slice %arg9[%add3A_10, %dma_wait3A_46] : memref<10240x128xf32, #tpu.memory_space<vmem_shared>> -> memref<128x128xf32, #tpu.memory_space<vmem_shared>>
      tpu.wait_dma2 semaphore(%run_scoped3A : memref<!tpu.dma_semaphore, #tpu.memory_space<semaphore_mem>>) src(%arg8 : memref<128x128xf32, #tpu.memory_space<vmem>>) dst(%dma_wait3A_47 : memref<128x128xf32, #tpu.memory_space<vmem_shared>>)
      tpu.yield
    }) : () -> ()
    %mul3A_11 = arith.constant 640 : i32
    %mul3A_12 = arith.muli %arg1, %mul3A_11 : i32
    %add3A_13 = arith.constant 128 : i32
    %add3A_14 = arith.addi %mul3A_12, %add3A_13 : i32
    "tpu.region"() ({
      %run_scoped3A = tpu.sem_alloc : memref<!tpu.dma_semaphore, #tpu.memory_space<semaphore_mem>>
      %dma_start3A = arith.constant 0 : i32
      %dma_start3A_42 = tpu.memref_slice %arg9[%add3A_14, %dma_start3A] : memref<10240x128xf32, #tpu.memory_space<vmem_shared>> -> memref<128x128xf32, #tpu.memory_space<vmem_shared>>
      %dma_start3A_43 = arith.constant 0 : i32
      %dma_start3A_44 = tpu.memref_slice %arg9[%add3A_14, %dma_start3A_43] : memref<10240x128xf32, #tpu.memory_space<vmem_shared>> -> memref<128x128xf32, #tpu.memory_space<vmem_shared>>
      tpu.enqueue_dma source(%arg8 : memref<128x128xf32, #tpu.memory_space<vmem>>) target(%dma_start3A_44 : memref<128x128xf32, #tpu.memory_space<vmem_shared>>) target_semaphore(%run_scoped3A : memref<!tpu.dma_semaphore, #tpu.memory_space<semaphore_mem>>)
      %dma_wait3A = arith.constant 0 : i32
      %dma_wait3A_45 = tpu.memref_slice %arg9[%add3A_14, %dma_wait3A] : memref<10240x128xf32, #tpu.memory_space<vmem_shared>> -> memref<128x128xf32, #tpu.memory_space<vmem_shared>>
      %dma_wait3A_46 = arith.constant 0 : i32
      %dma_wait3A_47 = tpu.memref_slice %arg9[%add3A_14, %dma_wait3A_46] : memref<10240x128xf32, #tpu.memory_space<vmem_shared>> -> memref<128x128xf32, #tpu.memory_space<vmem_shared>>
      tpu.wait_dma2 semaphore(%run_scoped3A : memref<!tpu.dma_semaphore, #tpu.memory_space<semaphore_mem>>) src(%arg8 : memref<128x128xf32, #tpu.memory_space<vmem>>) dst(%dma_wait3A_47 : memref<128x128xf32, #tpu.memory_space<vmem_shared>>)
      tpu.yield
    }) : () -> ()
    %mul3A_15 = arith.constant 640 : i32
    %mul3A_16 = arith.muli %arg1, %mul3A_15 : i32
    %add3A_17 = arith.constant 256 : i32
    %add3A_18 = arith.addi %mul3A_16, %add3A_17 : i32
    "tpu.region"() ({
      %run_scoped3A = tpu.sem_alloc : memref<!tpu.dma_semaphore, #tpu.memory_space<semaphore_mem>>
      %dma_start3A = arith.constant 0 : i32
      %dma_start3A_42 = tpu.memref_slice %arg9[%add3A_18, %dma_start3A] : memref<10240x128xf32, #tpu.memory_space<vmem_shared>> -> memref<128x128xf32, #tpu.memory_space<vmem_shared>>
      %dma_start3A_43 = arith.constant 0 : i32
      %dma_start3A_44 = tpu.memref_slice %arg9[%add3A_18, %dma_start3A_43] : memref<10240x128xf32, #tpu.memory_space<vmem_shared>> -> memref<128x128xf32, #tpu.memory_space<vmem_shared>>
      tpu.enqueue_dma source(%arg8 : memref<128x128xf32, #tpu.memory_space<vmem>>) target(%dma_start3A_44 : memref<128x128xf32, #tpu.memory_space<vmem_shared>>) target_semaphore(%run_scoped3A : memref<!tpu.dma_semaphore, #tpu.memory_space<semaphore_mem>>)
      %dma_wait3A = arith.constant 0 : i32
      %dma_wait3A_45 = tpu.memref_slice %arg9[%add3A_18, %dma_wait3A] : memref<10240x128xf32, #tpu.memory_space<vmem_shared>> -> memref<128x128xf32, #tpu.memory_space<vmem_shared>>
      %dma_wait3A_46 = arith.constant 0 : i32
      %dma_wait3A_47 = tpu.memref_slice %arg9[%add3A_18, %dma_wait3A_46] : memref<10240x128xf32, #tpu.memory_space<vmem_shared>> -> memref<128x128xf32, #tpu.memory_space<vmem_shared>>
      tpu.wait_dma2 semaphore(%run_scoped3A : memref<!tpu.dma_semaphore, #tpu.memory_space<semaphore_mem>>) src(%arg8 : memref<128x128xf32, #tpu.memory_space<vmem>>) dst(%dma_wait3A_47 : memref<128x128xf32, #tpu.memory_space<vmem_shared>>)
      tpu.yield
    }) : () -> ()
    %mul3A_19 = arith.constant 640 : i32
    %mul3A_20 = arith.muli %arg1, %mul3A_19 : i32
    %add3A_21 = arith.constant 384 : i32
    %add3A_22 = arith.addi %mul3A_20, %add3A_21 : i32
    "tpu.region"() ({
      %run_scoped3A = tpu.sem_alloc : memref<!tpu.dma_semaphore, #tpu.memory_space<semaphore_mem>>
      %dma_start3A = arith.constant 0 : i32
      %dma_start3A_42 = tpu.memref_slice %arg9[%add3A_22, %dma_start3A] : memref<10240x128xf32, #tpu.memory_space<vmem_shared>> -> memref<128x128xf32, #tpu.memory_space<vmem_shared>>
      %dma_start3A_43 = arith.constant 0 : i32
      %dma_start3A_44 = tpu.memref_slice %arg9[%add3A_22, %dma_start3A_43] : memref<10240x128xf32, #tpu.memory_space<vmem_shared>> -> memref<128x128xf32, #tpu.memory_space<vmem_shared>>
      tpu.enqueue_dma source(%arg8 : memref<128x128xf32, #tpu.memory_space<vmem>>) target(%dma_start3A_44 : memref<128x128xf32, #tpu.memory_space<vmem_shared>>) target_semaphore(%run_scoped3A : memref<!tpu.dma_semaphore, #tpu.memory_space<semaphore_mem>>)
      %dma_wait3A = arith.constant 0 : i32
      %dma_wait3A_45 = tpu.memref_slice %arg9[%add3A_22, %dma_wait3A] : memref<10240x128xf32, #tpu.memory_space<vmem_shared>> -> memref<128x128xf32, #tpu.memory_space<vmem_shared>>
      %dma_wait3A_46 = arith.constant 0 : i32
      %dma_wait3A_47 = tpu.memref_slice %arg9[%add3A_22, %dma_wait3A_46] : memref<10240x128xf32, #tpu.memory_space<vmem_shared>> -> memref<128x128xf32, #tpu.memory_space<vmem_shared>>
      tpu.wait_dma2 semaphore(%run_scoped3A : memref<!tpu.dma_semaphore, #tpu.memory_space<semaphore_mem>>) src(%arg8 : memref<128x128xf32, #tpu.memory_space<vmem>>) dst(%dma_wait3A_47 : memref<128x128xf32, #tpu.memory_space<vmem_shared>>)
      tpu.yield
    }) : () -> ()
    %mul3A_23 = arith.constant 640 : i32
    %mul3A_24 = arith.muli %arg1, %mul3A_23 : i32
    %add3A_25 = arith.constant 512 : i32
    %add3A_26 = arith.addi %mul3A_24, %add3A_25 : i32
    "tpu.region"() ({
      %run_scoped3A = tpu.sem_alloc : memref<!tpu.dma_semaphore, #tpu.memory_space<semaphore_mem>>
      %dma_start3A = arith.constant 0 : i32
      %dma_start3A_42 = tpu.memref_slice %arg9[%add3A_26, %dma_start3A] : memref<10240x128xf32, #tpu.memory_space<vmem_shared>> -> memref<128x128xf32, #tpu.memory_space<vmem_shared>>
      %dma_start3A_43 = arith.constant 0 : i32
      %dma_start3A_44 = tpu.memref_slice %arg9[%add3A_26, %dma_start3A_43] : memref<10240x128xf32, #tpu.memory_space<vmem_shared>> -> memref<128x128xf32, #tpu.memory_space<vmem_shared>>
      tpu.enqueue_dma source(%arg8 : memref<128x128xf32, #tpu.memory_space<vmem>>) target(%dma_start3A_44 : memref<128x128xf32, #tpu.memory_space<vmem_shared>>) target_semaphore(%run_scoped3A : memref<!tpu.dma_semaphore, #tpu.memory_space<semaphore_mem>>)
      %dma_wait3A = arith.constant 0 : i32
      %dma_wait3A_45 = tpu.memref_slice %arg9[%add3A_26, %dma_wait3A] : memref<10240x128xf32, #tpu.memory_space<vmem_shared>> -> memref<128x128xf32, #tpu.memory_space<vmem_shared>>
      %dma_wait3A_46 = arith.constant 0 : i32
      %dma_wait3A_47 = tpu.memref_slice %arg9[%add3A_26, %dma_wait3A_46] : memref<10240x128xf32, #tpu.memory_space<vmem_shared>> -> memref<128x128xf32, #tpu.memory_space<vmem_shared>>
      tpu.wait_dma2 semaphore(%run_scoped3A : memref<!tpu.dma_semaphore, #tpu.memory_space<semaphore_mem>>) src(%arg8 : memref<128x128xf32, #tpu.memory_space<vmem>>) dst(%dma_wait3A_47 : memref<128x128xf32, #tpu.memory_space<vmem_shared>>)
      tpu.yield
    }) : () -> ()
    %barrier3A = arith.constant 0 : index
    tpu.barrier barrier_id(%barrier3A)
    %mul3A_27 = arith.constant 80 : i32
    %mul3A_28 = arith.muli %add3A, %mul3A_27 : i32
    "tpu.region"() ({
      %run_scoped3A = tpu.sem_alloc : memref<!tpu.dma_semaphore, #tpu.memory_space<semaphore_mem>>
      %dma_start3A = arith.constant 0 : i32
      %dma_start3A_42 = tpu.memref_slice %arg3[%mul3A_28, %dma_start3A] : memref<2560x128xi32, #tpu.memory_space<hbm>> -> memref<80x128xi32, #tpu.memory_space<hbm>>
      %dma_start3A_43 = arith.constant 0 : i32
      %dma_start3A_44 = tpu.memref_slice %arg3[%mul3A_28, %dma_start3A_43] : memref<2560x128xi32, #tpu.memory_space<hbm>> -> memref<80x128xi32, #tpu.memory_space<hbm>>
      tpu.enqueue_dma source(%dma_start3A_44 : memref<80x128xi32, #tpu.memory_space<hbm>>) target(%arg6 : memref<80x128xi32, #tpu.memory_space<vmem>>) target_semaphore(%run_scoped3A : memref<!tpu.dma_semaphore, #tpu.memory_space<semaphore_mem>>)
      %dma_wait3A = arith.constant 0 : i32
      %dma_wait3A_45 = tpu.memref_slice %arg3[%mul3A_28, %dma_wait3A] : memref<2560x128xi32, #tpu.memory_space<hbm>> -> memref<80x128xi32, #tpu.memory_space<hbm>>
      %dma_wait3A_46 = arith.constant 0 : i32
      %dma_wait3A_47 = tpu.memref_slice %arg3[%mul3A_28, %dma_wait3A_46] : memref<2560x128xi32, #tpu.memory_space<hbm>> -> memref<80x128xi32, #tpu.memory_space<hbm>>
      tpu.wait_dma2 semaphore(%run_scoped3A : memref<!tpu.dma_semaphore, #tpu.memory_space<semaphore_mem>>) src(%dma_wait3A_47 : memref<80x128xi32, #tpu.memory_space<hbm>>) dst(%arg6 : memref<80x128xi32, #tpu.memory_space<vmem>>)
      tpu.yield
    }) : () -> ()
    %mul3A_29 = arith.constant 80 : i32
    %mul3A_30 = arith.muli %add3A, %mul3A_29 : i32
    "tpu.region"() ({
      %run_scoped3A = tpu.sem_alloc : memref<!tpu.dma_semaphore, #tpu.memory_space<semaphore_mem>>
      %dma_start3A = arith.constant 0 : i32
      %dma_start3A_42 = tpu.memref_slice %arg4[%mul3A_30, %dma_start3A] : memref<2560x128xi32, #tpu.memory_space<hbm>> -> memref<80x128xi32, #tpu.memory_space<hbm>>
      %dma_start3A_43 = arith.constant 0 : i32
      %dma_start3A_44 = tpu.memref_slice %arg4[%mul3A_30, %dma_start3A_43] : memref<2560x128xi32, #tpu.memory_space<hbm>> -> memref<80x128xi32, #tpu.memory_space<hbm>>
      tpu.enqueue_dma source(%dma_start3A_44 : memref<80x128xi32, #tpu.memory_space<hbm>>) target(%arg7 : memref<80x128xi32, #tpu.memory_space<vmem>>) target_semaphore(%run_scoped3A : memref<!tpu.dma_semaphore, #tpu.memory_space<semaphore_mem>>)
      %dma_wait3A = arith.constant 0 : i32
      %dma_wait3A_45 = tpu.memref_slice %arg4[%mul3A_30, %dma_wait3A] : memref<2560x128xi32, #tpu.memory_space<hbm>> -> memref<80x128xi32, #tpu.memory_space<hbm>>
      %dma_wait3A_46 = arith.constant 0 : i32
      %dma_wait3A_47 = tpu.memref_slice %arg4[%mul3A_30, %dma_wait3A_46] : memref<2560x128xi32, #tpu.memory_space<hbm>> -> memref<80x128xi32, #tpu.memory_space<hbm>>
      tpu.wait_dma2 semaphore(%run_scoped3A : memref<!tpu.dma_semaphore, #tpu.memory_space<semaphore_mem>>) src(%dma_wait3A_47 : memref<80x128xi32, #tpu.memory_space<hbm>>) dst(%arg7 : memref<80x128xi32, #tpu.memory_space<vmem>>)
      tpu.yield
    }) : () -> ()
    %scan3A_31 = arith.constant 0 : i32
    %scan3A_32 = arith.constant 0 : i32
    %scan3A_33 = arith.constant 80 : i32
    %scan3A_34 = arith.addi %scan3A_32, %scan3A_33 : i32
    %scan3A_35 = arith.constant 1 : i32
    scf.for %scan3A_42 = %scan3A_32 to %scan3A_34 step %scan3A_35  : i32 {
      %dma_start3A = arith.constant 0 : i32
      %dma_start3A_43 = tpu.memref_slice %arg6[%scan3A_42, %dma_start3A] : memref<80x128xi32, #tpu.memory_space<vmem>> -> memref<1x128xi32, #tpu.memory_space<vmem>>
      %dma_start3A_44 = tpu.memref_squeeze %dma_start3A_43 : memref<1x128xi32, #tpu.memory_space<vmem>> -> memref<128xi32, #tpu.memory_space<vmem>>
      %dma_start3A_45 = arith.constant 0 : i32
      %dma_start3A_46 = arith.constant 0 : i32
      %dma_start3A_47 = tpu.memref_slice %arg2[%dma_start3A_45, %dma_start3A_46] : memref<10000x128xf32, #tpu.memory_space<hbm>> -> memref<10000x128xf32, #tpu.memory_space<hbm>>
      tpu.enqueue_indirect_dma source(%dma_start3A_47 : memref<10000x128xf32, #tpu.memory_space<hbm>>) target(%arg8 : memref<128x128xf32, #tpu.memory_space<vmem>>) offsets(%dma_start3A_44 : memref<128xi32, #tpu.memory_space<vmem>>) semaphore(%arg10 : memref<!tpu.dma_semaphore, #tpu.memory_space<semaphore_mem>>)
      %dma_wait3A = arith.constant 0 : i32
      %dma_wait3A_48 = tpu.memref_slice %arg6[%scan3A_42, %dma_wait3A] : memref<80x128xi32, #tpu.memory_space<vmem>> -> memref<1x128xi32, #tpu.memory_space<vmem>>
      %dma_wait3A_49 = tpu.memref_squeeze %dma_wait3A_48 : memref<1x128xi32, #tpu.memory_space<vmem>> -> memref<128xi32, #tpu.memory_space<vmem>>
      %dma_wait3A_50 = arith.constant 0 : i32
      %dma_wait3A_51 = arith.constant 0 : i32
      %dma_wait3A_52 = tpu.memref_slice %arg2[%dma_wait3A_50, %dma_wait3A_51] : memref<10000x128xf32, #tpu.memory_space<hbm>> -> memref<10000x128xf32, #tpu.memory_space<hbm>>
      tpu.wait_indirect_dma semaphore(%arg10 : memref<!tpu.dma_semaphore, #tpu.memory_space<semaphore_mem>>) src(%dma_wait3A_52 : memref<10000x128xf32, #tpu.memory_space<hbm>>) dst(%arg8 : memref<128x128xf32, #tpu.memory_space<vmem>>)
      "tpu.region"() ({
        %run_scoped3A = tpu.sem_alloc : memref<!tpu.dma_semaphore, #tpu.memory_space<semaphore_mem>>
        %dma_start3A_53 = arith.constant 0 : i32
        %dma_start3A_54 = tpu.memref_slice %arg7[%scan3A_42, %dma_start3A_53] : memref<80x128xi32, #tpu.memory_space<vmem>> -> memref<1x128xi32, #tpu.memory_space<vmem>>
        %dma_start3A_55 = tpu.memref_squeeze %dma_start3A_54 : memref<1x128xi32, #tpu.memory_space<vmem>> -> memref<128xi32, #tpu.memory_space<vmem>>
        %dma_start3A_56 = arith.constant 0 : i32
        %dma_start3A_57 = arith.constant 0 : i32
        %dma_start3A_58 = tpu.memref_slice %arg9[%dma_start3A_56, %dma_start3A_57] : memref<10240x128xf32, #tpu.memory_space<vmem_shared>> -> memref<10240x128xf32, #tpu.memory_space<vmem_shared>>
        tpu.enqueue_indirect_dma source(%arg8 : memref<128x128xf32, #tpu.memory_space<vmem>>) target(%dma_start3A_58 : memref<10240x128xf32, #tpu.memory_space<vmem_shared>>) offsets(%dma_start3A_55 : memref<128xi32, #tpu.memory_space<vmem>>) semaphore(%run_scoped3A : memref<!tpu.dma_semaphore, #tpu.memory_space<semaphore_mem>>) {add = true}
        %dma_wait3A_59 = arith.constant 0 : i32
        %dma_wait3A_60 = tpu.memref_slice %arg7[%scan3A_42, %dma_wait3A_59] : memref<80x128xi32, #tpu.memory_space<vmem>> -> memref<1x128xi32, #tpu.memory_space<vmem>>
        %dma_wait3A_61 = tpu.memref_squeeze %dma_wait3A_60 : memref<1x128xi32, #tpu.memory_space<vmem>> -> memref<128xi32, #tpu.memory_space<vmem>>
        %dma_wait3A_62 = arith.constant 0 : i32
        %dma_wait3A_63 = arith.constant 0 : i32
        %dma_wait3A_64 = tpu.memref_slice %arg9[%dma_wait3A_62, %dma_wait3A_63] : memref<10240x128xf32, #tpu.memory_space<vmem_shared>> -> memref<10240x128xf32, #tpu.memory_space<vmem_shared>>
        tpu.wait_indirect_dma semaphore(%run_scoped3A : memref<!tpu.dma_semaphore, #tpu.memory_space<semaphore_mem>>) src(%arg8 : memref<128x128xf32, #tpu.memory_space<vmem>>) dst(%dma_wait3A_64 : memref<10240x128xf32, #tpu.memory_space<vmem_shared>>)
        tpu.yield
      }) : () -> ()
    }
    %scan3A_36 = arith.constant 80 : i32
    %barrier3A_37 = arith.constant 0 : index
    tpu.barrier barrier_id(%barrier3A_37)
    %mul3A_38 = arith.constant 640 : i32
    %mul3A_39 = arith.muli %arg1, %mul3A_38 : i32
    %mul3A_40 = arith.constant 640 : i32
    %mul3A_41 = arith.muli %arg1, %mul3A_40 : i32
    "tpu.region"() ({
      %run_scoped3A = tpu.sem_alloc : memref<!tpu.dma_semaphore, #tpu.memory_space<semaphore_mem>>
      %dma_start3A = arith.constant 0 : i32
      %dma_start3A_42 = tpu.memref_slice %arg5[%arg0, %mul3A_41, %dma_start3A] : memref<2x10240x128xf32, #tpu.memory_space<hbm>> -> memref<1x640x128xf32, #tpu.memory_space<hbm>>
      %dma_start3A_43 = tpu.memref_squeeze %dma_start3A_42 : memref<1x640x128xf32, #tpu.memory_space<hbm>> -> memref<640x128xf32, #tpu.memory_space<hbm>>
      %dma_start3A_44 = arith.constant 0 : i32
      %dma_start3A_45 = tpu.memref_slice %arg9[%mul3A_39, %dma_start3A_44] : memref<10240x128xf32, #tpu.memory_space<vmem_shared>> -> memref<640x128xf32, #tpu.memory_space<vmem_shared>>
      tpu.enqueue_dma source(%dma_start3A_45 : memref<640x128xf32, #tpu.memory_space<vmem_shared>>) target(%dma_start3A_43 : memref<640x128xf32, #tpu.memory_space<hbm>>) target_semaphore(%run_scoped3A : memref<!tpu.dma_semaphore, #tpu.memory_space<semaphore_mem>>)
      %dma_wait3A = arith.constant 0 : i32
      %dma_wait3A_46 = tpu.memref_slice %arg5[%arg0, %mul3A_41, %dma_wait3A] : memref<2x10240x128xf32, #tpu.memory_space<hbm>> -> memref<1x640x128xf32, #tpu.memory_space<hbm>>
      %dma_wait3A_47 = tpu.memref_squeeze %dma_wait3A_46 : memref<1x640x128xf32, #tpu.memory_space<hbm>> -> memref<640x128xf32, #tpu.memory_space<hbm>>
      %dma_wait3A_48 = arith.constant 0 : i32
      %dma_wait3A_49 = tpu.memref_slice %arg9[%mul3A_39, %dma_wait3A_48] : memref<10240x128xf32, #tpu.memory_space<vmem_shared>> -> memref<640x128xf32, #tpu.memory_space<vmem_shared>>
      tpu.wait_dma2 semaphore(%run_scoped3A : memref<!tpu.dma_semaphore, #tpu.memory_space<semaphore_mem>>) src(%dma_wait3A_49 : memref<640x128xf32, #tpu.memory_space<vmem_shared>>) dst(%dma_wait3A_47 : memref<640x128xf32, #tpu.memory_space<hbm>>)
      tpu.yield
    }) : () -> ()
    return
  }
}

</mosaic_0001>

<sc_bundles>
// kernel: _sc_agg.3.cloned.1.call-start
scs
__scs_entry_jumppad:
0x0: {  	(pc) =	sbr.rel $0x88, $3  }
0x1: {  	(tag) =	ssettag $0x0;
	lr =	simm.s32 $0x1  }
0x2: {  	[smem:$0x3F9E] =	sst lr;
	_ =	strace $0xD0000000  }
0x3: {  	_ = 	snop  }
0x4: {  	_ = 	snop  }
0x5: {  	_ = 	snop  }
0x6: {  	_ = 	snop  }
0x7: {  	_ = 	snop  }
__scs_overlays_trampoline_lowered:
0x8: {  	[smem:$0x3FAD] =	sst s0  }
0x9: {  	[smem:$0x3FAE] =	sst s1  }
0xa: {  	[smem:$0x3FAF] =	sst s2  }
0xb: {  	[smem:$0x3FB0] =	sst s3  }
0xc: {  	[smem:$0x3FB1] =	sst s4  }
0xd: {  	[smem:$0x3FB2] =	sst s5  }
0xe: {  	[smem:$0x3FB3] =	sst s6  }
0xf: {  	[smem:$0x3FB4] =	sst s7  }
0x10: {  	[smem:$0x3FB5] =	sst s8  }
0x11: {  	[smem:$0x3FB6] =	sst s9;
	s0 =	simm.s32 @!p0 $0x0  }
0x12: {  	s1 =	sld [smem:$0x3F9C];
	s0 =	simm.s32 @p0 $0x1  }
0x13: {  	[smem:$0x3FB7] =	sst s0;
	s0 =	simm.s32 @!p1 $0x0  }
0x14: {  	s2 =	sld [smem:$0x3F9B];
	s0 =	simm.s32 @p1 $0x1  }
0x15: {  	[smem:$0x3FB8] =	sst s0;
	s0 =	simm.s32 @!p2 $0x0  }
0x16: {  	s3 =	sld [smem:$0x3FDB];
	s0 =	simm.s32 @p2 $0x1  }
0x17: {  	s4 =	simm.s32 $0x1BF5;
	[smem:$0x3FBA] =	sst s0  }
0x18: {  	s0 =	sld [smem:$0x3F9D];
	_ =	swait.ge [sflag:s4], $0x0  }
0x19: {  	s7 =	sld [smem:$0x3F9E]  }
0x1a: {  	s8 =	sadd.s32 $0xFFFFE003, lr  }
0x1b: {  	s9 =	sadd.s32 $0xFFFFFEF7, lr;
	s5 =	simm.s32 $0xFFFFFFFF;
	p2 =	slt.u32 s8, $0xFFFFF086  }
0x1c: {  	p1 =	slt.u32 s9, $0xF7A;
	s5 =	simm.s32 @!p2 $0x0  }
0x1d: {  	s5 =	simm.s32 @p1 $0x1;
	p0 =	seq.s32 s7, s2  }
0x1e: {  	s7 =	smul.u32 @!p0 $0xF7A, s2;
	p2 =	seq.s32 @!p0 s5, $0x0  }
0x1f: {  	s9 =	smul.u32 $0xF7A, s1;
	s8 =	simm.s32 @!p0 $0x1BF5;
	p2 =	por !p2, p0  }
0x20: {  	[sflag:s8] =	ssyncset.s32 @!p0 $0xFFFFF086;
	s6 =	sadd.s32 @!p0 s3, s7;
	s7 =	simm.s32 @!p0 $0x108  }
0x21: {  	s3 =	sadd.s32 s3, s9;
	s6 =	sadd.s32 @!p0 $0x88, s6;
	s7 =	simm.s32 @p2 $0x1082  }
0x22: {  	[simem:s7], [sflag:s8] =	dma.local @!p0 [hbm:s6], $0xF7A  }
0x23: {  	s9 =	sor.u32 $0xD0000000, s2;
	s6 =	simm.s32 $0x108;
	_ =	swait.ge @!p0 [sflag:s8], $0x0  }
0x24: {  	s3 =	sadd.s32 $0x88, s3;
	s6 =	simm.s32 @!p1 $0x1082;
	[sflag:s4] =	ssyncset.s32 $0xFFFFF086  }
0x25: {  	[simem:s6], [sflag:s4] =	dma.local [hbm:s3], $0xF7A  }
0x26: {  	[smem:$0x3F9E] =	sst s1;
	(tag) =	ssettag s2;
	_ =	strace s9  }
0x27: {  	s1 =	sld [smem:$0x3FAE]  }
0x28: {  	s2 =	sld [smem:$0x3FAF]  }
0x29: {  	s4 =	sld [smem:$0x3FB1]  }
0x2a: {  	p0 =	seq.s32 s5, $0x0;
	s5 =	sld [smem:$0x3FB2]  }
0x2b: {  	s6 =	sld [smem:$0x3FB3]  }
0x2c: {  	s7 =	sld [smem:$0x3FB4]  }
0x2d: {  	s3 =	simm.s32 $0x108;
	s8 =	sld [smem:$0x3FB5]  }
0x2e: {  	s3 =	simm.s32 @!p0 $0x1082;
	s9 =	sld [smem:$0x3FB6]  }
0x2f: {  	lr =	sadd.s32 s0, s3;
	s0 =	sld [smem:$0x3FAD]  }
0x30: {  	s3 =	sld [smem:$0x3FB0]  }
0x31: {  	[smem:$0x3FB9] =	sst s10  }
0x32: {  	s10 =	sld [smem:$0x3FB7];
	_ =	sdelay $0x3  }
0x33: {  	p0 =	seq.s32 s10, $0x1;
	s10 =	sld [smem:$0x3FB9];
	_ =	sdelay $0x3  }
0x34: {  	[smem:$0x3FB9] =	sst s10  }
0x35: {  	s10 =	sld [smem:$0x3FB8];
	_ =	sdelay $0x3  }
0x36: {  	p1 =	seq.s32 s10, $0x1;
	s10 =	sld [smem:$0x3FB9];
	_ =	sdelay $0x3  }
0x37: {  	[smem:$0x3FB9] =	sst s10  }
0x38: {  	s10 =	sld [smem:$0x3FBA]  }
0x39: {  	_ = 	snop;
	(pc) =	sbr.ind lr, $3  }
0x3a: {  	_ = 	snop  }
0x3b: {  	_ = 	snop  }
0x3c: {  	p2 =	seq.s32 s10, $0x1;
	s10 =	sld [smem:$0x3FB9]  }
0x3d: {  	_ =	shalt  }
0x3e: {  	_ =	shalt  }
0x3f: {  	_ =	shalt  }
0x40: {  	_ =	shalt  }
0x41: {  	_ =	shalt  }
0x42: {  	_ =	shalt  }
0x43: {  	_ =	shalt  }
0x44: {  	_ =	shalt  }
0x45: {  	_ =	shalt  }
0x46: {  	_ =	shalt  }
0x47: {  	_ =	shalt  }
0x48: {  	_ =	shalt  }
0x49: {  	_ =	shalt  }
0x4a: {  	_ =	shalt  }
0x4b: {  	_ =	shalt  }
0x4c: {  	_ =	shalt  }
0x4d: {  	_ =	shalt  }
0x4e: {  	_ =	shalt  }
0x4f: {  	_ =	shalt  }
0x50: {  	_ =	shalt  }
0x51: {  	_ =	shalt  }
0x52: {  	_ =	shalt  }
0x53: {  	_ =	shalt  }
0x54: {  	_ =	shalt  }
0x55: {  	_ =	shalt  }
0x56: {  	_ =	shalt  }
0x57: {  	_ =	shalt  }
0x58: {  	_ =	shalt  }
0x59: {  	_ =	shalt  }
0x5a: {  	_ =	shalt  }
0x5b: {  	_ =	shalt  }
0x5c: {  	_ =	shalt  }
0x5d: {  	_ =	shalt  }
0x5e: {  	_ =	shalt  }
0x5f: {  	_ =	shalt  }
0x60: {  	_ =	shalt  }
0x61: {  	_ =	shalt  }
0x62: {  	_ =	shalt  }
0x63: {  	_ =	shalt  }
0x64: {  	_ =	shalt  }
0x65: {  	_ =	shalt  }
0x66: {  	_ =	shalt  }
0x67: {  	_ =	shalt  }
0x68: {  	_ =	shalt  }
0x69: {  	_ =	shalt  }
0x6a: {  	_ =	shalt  }
0x6b: {  	_ =	shalt  }
0x6c: {  	_ =	shalt  }
0x6d: {  	_ =	shalt  }
0x6e: {  	_ =	shalt  }
0x6f: {  	_ =	shalt  }
0x70: {  	_ =	shalt  }
0x71: {  	_ =	shalt  }
0x72: {  	_ =	shalt  }
0x73: {  	_ =	shalt  }
0x74: {  	_ =	shalt  }
0x75: {  	_ =	shalt  }
0x76: {  	_ =	shalt  }
0x77: {  	_ =	shalt  }
0x78: {  	_ =	shalt  }
0x79: {  	_ =	shalt  }
0x7a: {  	_ =	shalt  }
0x7b: {  	_ =	shalt  }
0x7c: {  	_ =	shalt  }
0x7d: {  	_ =	shalt  }
0x7e: {  	_ =	shalt  }
0x7f: {  	_ =	shalt  }
0x80: {  	_ =	shalt  }
0x81: {  	_ =	shalt  }
0x82: {  	_ =	shalt  }
0x83: {  	_ =	shalt  }
0x84: {  	_ =	shalt  }
0x85: {  	_ =	shalt  }
0x86: {  	_ =	shalt  }
0x87: {  	_ =	shalt  }
.Lfunc_end0:
.L_simem_size_0:
called_computation_lowered:
.L_overlay_start_0:
0x88: {  	s2 =	sld [smem:$0x3FD9]  }
0x89: {  	s3 =	sld [smem:$0x3FFE];
	_ =	sdelay $0x1  }
0x8a: {  	s1 =	srdreg.scid  }
0x8b: {  	s0 =	sand.u32 $0x1, s1  }
0x8c: {  	s18 =	sshll.u32 s0, $0xA;
	s2 =	sadd.s32 s3, s2  }
0x8d: {  	s2 =	sadd.s32 s2, s18  }
0x8e: {  	[smem:$0x3FC5] =	sst s2  }
0x8f: {  	_ = 	snop  }
0x90: {  	s2 =	sld [smem:$0x3FC9]  }
0x91: {  	s19 =	sld [smem:$0x3FC8]  }
0x92: {  	s4 =	sld [smem:$0x3FC7]  }
0x93: {  	s5 =	sld [smem:$0x3FD0];
	(tm) =	ssettm $0x1  }
0x94: {  	s6 =	sld [smem:$0x3FFB];
	_ =	sdelay $0x3  }
0x95: {  	_ =	strace s6  }
0x96: {  	s6 =	sld [smem:$0x3FFC];
	_ =	sdelay $0x3  }
0x97: {  	_ =	strace s6  }
0x98: {  	s6 =	sld [smem:$0x3FFD];
	_ =	sdelay $0x3  }
0x99: {  	_ =	strace s6  }
0x9a: {  	_ =	strace $0x8FFFFFFF  }
0x9b: {  	s20 =	sld [smem:$0x3FDB];
	_ =	sdelay $0x1  }
0x9c: {  	s7 =	simm.s32 $_scs_section_size  }
0x9d: {  	s8 =	simm.s32 $_size__tile_overlayer_lowered;
	s9 =	simm.s32 $_tile_overlayer_lowered  }
0x9e: {  	s23 =	simm.s32 $0x1BFF;
	s22 =	sshll.u32 s9, $0x1;
	s6 =	sadd.s32 s7, s20  }
0x9f: {  	s10 =	simm.s32 $0x0;
	s21 =	sshll.u32 s8, $0x1;
	s8 =	sadd.s32 s22, s6  }
0xa0: {  	[timem:s10], [sflag:s23] =	dma.local [hbm:s8], s21  }
0xa1: {  	_ =	swait.ge [sflag:s23], s21  }
0xa2: {  	s7 =	ssub.s32 $0x0, s21;
	[sflag:s23] =	ssyncset.done $0x0  }
0xa3: {  	[sflag:s23] =	ssyncadd.s32 s7;
	_ =	sdelay $0x1  }
0xa4: {  	s24 =	simm.s32 $0x1B8B  }
0xa5: {  	_ =	swait.ge [sflag:s24], $0x1  }
0xa6: {  	[sflag:s24] =	ssyncset.done $0x0  }
0xa7: {  	s25 =	simm.s32 $0x1B8E;
	[sflag:s24] =	ssyncadd.s32 $0xFFFFFFFF  }
0xa8: {  	s26 =	simm.s32 $execute0_lowered;
	[smem:$0x3FD2] =	sst s25  }
0xa9: {  	s7 =	sshll.u32 s26, $0x1;
	_ =	strace $0x80000046;
	[dreg:$0x1] =	wrdreg $0xFFFFFFFF  }
0xaa: {  	s28 =	simm.s32 $_size_execute0_lowered;
	s6 =	sadd.s32 s6, s7;
	[dreg:$0x0] =	wrdreg $0x0  }
0xab: {  	s7 =	sshll.u32 s28, $0x1;
	[dreg:$0x2] =	wrdreg s6  }
0xac: {  	[dreg:$0x3] =	wrdreg s7  }
0xad: {  	[dreg:$0x4] =	wrdreg $0xC0  }
0xae: {  	_ =	task [dreg:s10], $0x5FFFF  }
0xaf: {  	[dreg:$0x1] =	wrdreg $0xFFFFFFFF  }
0xb0: {  	[dreg:$0x0] =	wrdreg $0x60  }
0xb1: {  	[dreg:$0x2] =	wrdreg s2  }
0xb2: {  	[dreg:$0x3] =	wrdreg s19  }
0xb3: {  	[dreg:$0x4] =	wrdreg s4  }
0xb4: {  	[dreg:$0x5] =	wrdreg s5  }
0xb5: {  	[dreg:$0x6] =	wrdreg $0x90000  }
0xb6: {  	[dreg:$0x7] =	wrdreg $0x9  }
0xb7: {  	_ =	task.clear_ibuf [dreg:s10], $0x8FFFF;
	_ =	strace $0x90000046  }
0xb8: {  	s29 =	simm.s32 $0x9;
	_ =	strace $0x80000048  }
0xb9: {  	_ =	swait.ge [sflag:s29], $0x1  }
0xba: {  	[sflag:s29] =	ssyncadd.s32 $0xFFFFFFFF  }
0xbb: {  	_ =	strace $0x90000048  }
0xbc: {  	_ =	sfence  }
0xbd: {  	s30 =	sld [smem:$0x0];
	_ =	sdelay $0x2  }
0xbe: {  	s31 =	sshll.u32 s1, $0xD;
	s1 =	sshrl.u32 s1, $0x2  }
0xbf: {  	s3 =	sand.u32 $0x4000, s31;
	s1 =	sadd.s32 s1, s30  }
0xc0: {  	s0 =	sor.u32 s3, s0;
	s1 =	sshll.u32 s1, $0x11  }
0xc1: {  	s0 =	sor.u32 s1, s0  }
0xc2: {  	s0 =	sadd.s32 $0x8F2B, s0  }
0xc3: {  	[sflag:s0] =	ssyncadd.remote.s32 $0x1  }
0xc4: {  	_ =	sfence.sel $0xFFFF  }
0xc5: {  	[dreg:$0x0] =	wrdreg $0xFFFFFFFF;
	(pc) =	sbr.abs _section_cstart, $3  }
0xc6: {  	[dreg:$0x1] =	wrdreg $0xFFFFFFFF  }
0xc7: {  	_ =	task.clear_ibuf [dreg:s10], $0x2FFFF;
	_ =	strace $0x9FFFFFFF  }
0xc8: {  	(tm) =	ssettm $0x7FFFFFFF  }
0xc9: {  	_ =	shalt  }
tec
execute0_lowered:
.L_overlay_start_1:
0x0: {  	(tag) =	ssettag $0x1  }
0x1: {  	s1 =	rddreg [dreg:$0x0]  }
0x2: {  	s10 =	rddreg [dreg:$0x1]  }
0x3: {  	s11 =	rddreg [dreg:$0x2]  }
0x4: {  	s12 =	rddreg [dreg:$0x3]  }
0x5: {  	s3 =	rddreg [dreg:$0x4]  }
0x6: {  	s0 =	rddreg [dreg:$0x5];
	s4 =	simm.s32 $0x0;
	s5 =	srdreg.scid  }
0x7: {  	s2 =	stileid.u32;
	s16 =	simm.s32 $0x2800;
	s17 =	simm.s32 $0x80  }
0x8: {  	s18 =	simm.s32 $0x1;
	[smem:$0x7FF] =	sst s4;
	s6 =	smul.u32 $0x50000, s2  }
0x9: {  	s5 =	sand.u32 $0x1, s5;
	s14 =	smul.u32 $0x14000, s2;
	s19 =	sshll.u32 s2, $0x6  }
0xa: {  	_ =	strace $0x80000047;
	s7 =	ssub.s32 $0x2, s5;
	s9 =	smul.u32 $0x140000, s5  }
0xb: {  	s13 =	sshll.u32 s5, $0x4;
	s19 =	sor.u32 $0x1C02, s19;
	s6 =	sshrl.u32 s6, $0x2  }
0xc: {  	s8 =	sshrl.u32 s7, $0x1;
	s31 =	sor.u32 s2, s13;
	s5 =	sadd.s32 s6, s3  }
0xd: {  	s15 =	ssub.s32 s7, s8;
	s13 =	smul.u32 $0x500, s31;
	s14 =	sadd.s32 s14, s9  }
0xe: {  	s6 =	sadd.s32 $0x4000, s5;
	s7 =	sadd.s32 $0x8000, s5;
	s8 =	sadd.s32 $0xC000, s5  }
0xf: {  	s9 =	sadd.s32 $0x10000, s5;
	s14 =	sshrl.u32 s14, $0x3;
	s20 =	sshrl.u32 s5, $0x3  }
0x10: {  	s10 =	sadd.s32 s10, s13;
	s11 =	sadd.s32 s11, s13;
	s12 =	sadd.s32 s12, s14  }
0x11: {  	v0 =	vimm.f32 $0.0e+00;
	s13 =	smax.u32 s15, $0x1;
	s14 =	simm.s32 $0x5000;
	s15 =	simm.s32 $0x2  }
.LBB2_1:
0x12: {  	s21 =	simm.s32 $0x0;
	s22 =	simm.s32 $0x200  }
.LBB2_2:
0x13: {  	p0 =	sne.s32 s22, $0xFE00;
	[tilespmem:s21+$0x5070] =	vst v0  }
0x14: {  	[tilespmem:s21+$0x5000] =	vst v0  }
0x15: {  	[tilespmem:s21+$0x5010] =	vst v0  }
.Ltmp0:
0x16: {  	[tilespmem:s21+$0x5020] =	vst v0;
	(pc) =	sbr.rel @p0 .LBB2_2-.Ltmp0, $4  }
0x17: {  	[tilespmem:s21+$0x5030] =	vst v0  }
0x18: {  	[tilespmem:s21+$0x5040] =	vst v0  }
0x19: {  	[tilespmem:s21+$0x5050] =	vst v0  }
0x1a: {  	[tilespmem:s21+$0x5060] =	vst v0;
	s21 =	sshra.s32 s22, $0x2;
	s22 =	sadd.s32 $0x200, s22  }
0x1b: {  	[tilespmem:s21+$0x5070] =	vst v0  }
0x1c: {  	[tilespmem:s21+$0x5000] =	vst v0  }
0x1d: {  	[tilespmem:s21+$0x5010] =	vst v0  }
0x1e: {  	[tilespmem:s21+$0x5020] =	vst v0  }
0x1f: {  	[tilespmem:s21+$0x5030] =	vst v0  }
0x20: {  	[tilespmem:s21+$0x5040] =	vst v0  }
0x21: {  	[tilespmem:s21+$0x5050] =	vst v0  }
0x22: {  	[tilespmem:s21+$0x5060] =	vst v0  }
0x23: {  	[spmem:s5] =	stream.linear.scatter [tilespmem:s14], [sflag:$0x2], $0x4000, $0x38;
	[tilespmem:$0x1D000] =	vst v63  }
0x24: {  	_ =	swait.ge [sflag:s15], $0x4000  }
0x25: {  	[sflag:s15] =	ssyncset.done $0x0  }
0x26: {  	[sflag:s15] =	ssyncadd.s32 $0xFFFFC000  }
0x27: {  	[spmem:s6] =	stream.linear.scatter [tilespmem:s14], [sflag:$0x2], $0x4000, $0x38;
	[tilespmem:$0x1D000] =	vst v63  }
0x28: {  	_ =	swait.ge [sflag:s15], $0x4000  }
0x29: {  	[sflag:s15] =	ssyncset.done $0x0  }
0x2a: {  	[sflag:s15] =	ssyncadd.s32 $0xFFFFC000  }
0x2b: {  	[spmem:s7] =	stream.linear.scatter [tilespmem:s14], [sflag:$0x2], $0x4000, $0x38;
	[tilespmem:$0x1D000] =	vst v63  }
0x2c: {  	_ =	swait.ge [sflag:s15], $0x4000  }
0x2d: {  	[sflag:s15] =	ssyncset.done $0x0  }
0x2e: {  	[sflag:s15] =	ssyncadd.s32 $0xFFFFC000  }
0x2f: {  	[spmem:s8] =	stream.linear.scatter [tilespmem:s14], [sflag:$0x2], $0x4000, $0x38;
	[tilespmem:$0x1D000] =	vst v63  }
0x30: {  	_ =	swait.ge [sflag:s15], $0x4000  }
0x31: {  	[sflag:s15] =	ssyncset.done $0x0  }
0x32: {  	[sflag:s15] =	ssyncadd.s32 $0xFFFFC000  }
0x33: {  	[spmem:s9] =	stream.linear.scatter [tilespmem:s14], [sflag:$0x2], $0x4000, $0x38;
	[tilespmem:$0x1D000] =	vst v63  }
0x34: {  	_ =	swait.ge [sflag:s15], $0x4000  }
0x35: {  	[sflag:s15] =	ssyncset.done $0x0  }
0x36: {  	[sflag:s15] =	ssyncadd.s32 $0xFFFFC000  }
0x37: {  	s29 =	simm.s32 $0x0;
	[bflag:$0x0] =	sbarrier.arrive $0xFFFF  }
0x38: {  	[tilespmem:s29], [sflag:$0x2] =	stream.linear.gather [hbm4b:s10+s29], $0x2800, $0x38;
	[tilespmem:$0x1D000] =	vst v63  }
0x39: {  	_ =	swait.ge [sflag:s15], $0x2800  }
0x3a: {  	[sflag:s15] =	ssyncset.done $0x0  }
0x3b: {  	[sflag:s15] =	ssyncadd.s32 $0xFFFFD800  }
0x3c: {  	[tilespmem:s16], [sflag:$0x2] =	stream.linear.gather [hbm4b:s11+s29], $0x2800, $0x38;
	[tilespmem:$0x1D000] =	vst v63  }
0x3d: {  	_ =	swait.ge [sflag:s15], $0x2800  }
0x3e: {  	[sflag:s15] =	ssyncset.done $0x0  }
0x3f: {  	s30 =	simm.s32 $0x0;
	[sflag:s15] =	ssyncadd.s32 $0xFFFFD800  }
0x40: {  	[tilespmem:s14], [sflag:$0x1] =	stream.indirect.gather [hbm4b:s1+s17], $0x80, s30, s17, $0xb8;
	[tilespmem:$0x1D000] =	vst v63  }
0x41: {  	_ =	swait.ge [sflag:s18], $0x4000  }
0x42: {  	[sflag:s18] =	ssyncset.done $0x0  }
0x43: {  	s31 =	simm.s32 $0x2800;
	[sflag:s18] =	ssyncadd.s32 $0xFFFFC000  }
0x44: {  	[spmem:s3] =	stream.indirect.scatter.add.f32 [tilespmem:s14], [sflag:$0x2], $0x80, s31, s17, $0xb8;
	[tilespmem:$0x1D000] =	vst v63  }
0x45: {  	_ =	swait.ge [sflag:s15], $0x4000  }
0x46: {  	s21 =	simm.s32 $0x200;
	s22 =	simm.s32 $0x400;
	[sflag:s15] =	ssyncset.done $0x0  }
.LBB2_4:
0x47: {  	s23 =	sshra.s32 s21, $0x2  }
0x48: {  	[sflag:s15] =	ssyncadd.s32 $0xFFFFC000;
	s21 =	smov.u32 s22;
	s24 =	sadd.s32 $0x200, s22  }
0x49: {  	[tilespmem:s14], [sflag:$0x1] =	stream.indirect.gather [hbm4b:s1+s17], $0x80, s23, s17, $0xb8;
	[tilespmem:$0x1D000] =	vst v63  }
0x4a: {  	p0 =	sne.s32 s22, $0x9E00;
	_ =	swait.ge [sflag:s18], $0x4000  }
.Ltmp1:
0x4b: {  	[sflag:s18] =	ssyncset.done $0x0;
	(pc) =	sbr.rel @p0 .LBB2_4-.Ltmp1, $4  }
0x4c: {  	s22 =	sadd.s32 $0x2800, s23;
	[sflag:s18] =	ssyncadd.s32 $0xFFFFC000  }
0x4d: {  	[spmem:s3] =	stream.indirect.scatter.add.f32 [tilespmem:s14], [sflag:$0x2], $0x80, s22, s17, $0xb8;
	[tilespmem:$0x1D000] =	vst v63  }
0x4e: {  	_ =	swait.ge [sflag:s15], $0x4000  }
0x4f: {  	s22 =	smov.u32 s24;
	[sflag:s15] =	ssyncset.done $0x0  }
0x50: {  	s21 =	sshra.s32 s21, $0x2;
	[sflag:s15] =	ssyncadd.s32 $0xFFFFC000  }
0x51: {  	[tilespmem:s14], [sflag:$0x1] =	stream.indirect.gather [hbm4b:s1+s17], $0x80, s21, s17, $0xb8;
	[tilespmem:$0x1D000] =	vst v63  }
0x52: {  	_ =	swait.ge [sflag:s18], $0x4000  }
0x53: {  	[sflag:s18] =	ssyncset.done $0x0  }
0x54: {  	s21 =	sadd.s32 $0x2800, s21;
	[sflag:s18] =	ssyncadd.s32 $0xFFFFC000  }
0x55: {  	[spmem:s3] =	stream.indirect.scatter.add.f32 [tilespmem:s14], [sflag:$0x2], $0x80, s21, s17, $0xb8;
	[tilespmem:$0x1D000] =	vst v63  }
0x56: {  	_ =	swait.ge [sflag:s15], $0x4000  }
0x57: {  	s4 =	sadd.s32 $0x1, s4;
	[sflag:s15] =	ssyncset.done $0x0  }
0x58: {  	p0 =	sne.s32 s4, s13;
	[sflag:s15] =	ssyncadd.s32 $0xFFFFC000  }
.Ltmp2:
0x59: {  	[bflag:$0x0] =	sbarrier.arrive $0xFFFF;
	(pc) =	sbr.rel @p0 .LBB2_1-.Ltmp2, $4  }
0x5a: {  	[hbm:s12], [sflag:s19] =	dma.local [spmem:s20], $0x2800  }
0x5b: {  	_ =	swait.ge [sflag:s15], $0x2800  }
0x5c: {  	[sflag:s15] =	ssyncset.done $0x0  }
0x5d: {  	[sflag:s15] =	ssyncadd.s32 $0xFFFFD800  }
0x5e: {  	_ =	sfence.sel $0x180000  }
0x5f: {  	[bflag:$0x0] =	sbarrier.arrive $0xFFFF  }
0x60: {  	p0 =	sne.s32 s2, $0x0;
	_ =	strace $0x90000047  }
0x61: {  	s0 =	sadd.s32 @!p0 $0x100000, s0;
	[bflag:$0x2] =	sbarrier.arrive $0xFFFF  }
0x62: {  	[sflag:s0] =	ssyncadd.tile.s32 @!p0 $0x1;
	_ =	shalt  }
.Lfunc_end2:
_tile_overlayer_lowered:
.L_overlay_start_2:
0x63: {  	(tag) =	ssettag $0x2  }
0x64: {  	s0 =	rddreg [dreg:$0x0];
	s2 =	stileid.u32  }
0x65: {  	s1 =	rddreg [dreg:$0x1];
	p0 =	sne.s32 s2, $0x0  }
0x66: {  	s3 =	rddreg [dreg:$0x2];
	[bflag:$0x3] =	sbarrier.arrive $0xFFFF;
	s2 =	simm.s32 @!p0 $0x1C02  }
0x67: {  	[timem:s3], [sflag:s2] =	dma.local @!p0 [hbm:s0], s1  }
0x68: {  	s0 =	simm.s32 @!p0 $0x2  }
0x69: {  	_ =	swait.ge @!p0 [sflag:s0], s1  }
0x6a: {  	s1 =	ssub.s32 @!p0 $0x0, s1;
	[sflag:s0] =	ssyncset.done @!p0 $0x0  }
0x6b: {  	[sflag:s0] =	ssyncadd.s32 @!p0 s1  }
0x6c: {  	[bflag:$0x3] =	sbarrier.arrive $0xFFFF  }
0x6d: {  	_ =	shalt  }

</sc_bundles>
